<compile_context>
chip_gen: v7x
topology: tpu7x:2x2x1
jax: 0.10.2.dev20260603
libtpu: 0.0.44.dev20260713+nightly
codegen_flags: <defaults>
</compile_context>

<pallas_src>
import jax
import jax.numpy as jnp
from jax import lax
from jax.experimental import pallas as pl
from jax.experimental.pallas import tpu as pltpu
from jax.experimental.pallas import tpu_sc as plsc

Q = 1024
D = 768
N = 100000
CHUNK = 2048
NCHUNK = 49
NPAD = NCHUNK * CHUNK
GRP = 128
NGRP = NPAD // GRP
GPC = CHUNK // GRP
QBLK = 1024
NQBLK = Q // QBLK

NEG = -1e30

NC = 2
NS = 16
NW = NC * NS
QPW = Q // NW
L = 16


def _sim_kernel(qn_ref, keys_ref, knp_ref, sim_ref, gmax_ref):
    c = pl.program_id(0)
    db = keys_ref[...] / knp_ref[...][:, None]
    s = jax.lax.dot_general(
        qn_ref[...], db, (((1,), (1,)), ((), ())),
        preferred_element_type=jnp.float32)
    col = c * CHUNK + jax.lax.broadcasted_iota(jnp.int32, (QBLK, CHUNK), 1)
    s = jnp.where(col < N, s, NEG)
    s3 = s.reshape(QBLK, GPC, GRP)
    sim_ref[...] = s3
    gmax_ref[...] = jnp.max(s3, axis=2)[None]


def _phase1(qn, keys, knp):
    return pl.pallas_call(
        _sim_kernel,
        grid=(NCHUNK,),
        in_specs=[
            pl.BlockSpec((QBLK, D), lambda c: (0, 0)),
            pl.BlockSpec((CHUNK, D), lambda c: (c, 0)),
            pl.BlockSpec((CHUNK,), lambda c: (c,)),
        ],
        out_specs=[
            pl.BlockSpec((QBLK, GPC, GRP), lambda c: (0, c, 0)),
            pl.BlockSpec((1, QBLK, GPC), lambda c: (c, 0, 0)),
        ],
        out_shape=[
            jax.ShapeDtypeStruct((Q, NGRP, GRP), jnp.float32),
            jax.ShapeDtypeStruct((NCHUNK, Q, GPC), jnp.float32),
        ],
    )(qn, keys, knp)


def _merge16(C, CI, X, XI):
    Xs, XIs = plsc.sort_key_val(X, XI, descending=False)
    take = Xs > C
    M = jnp.where(take, Xs, C)
    MI = jnp.where(take, XIs, CI)
    Ms, MIs = plsc.sort_key_val(M, MI, descending=True)
    return Ms, MIs


def _topk_body(gmax_hbm, simtab_hbm, vals_hbm, idx_hbm,
               gmaxbuf, rowidx, gbuf, cbs, vbuf, ibuf, tmpv, tmpi, sem):
    wid = lax.axis_index("s") * NC + lax.axis_index("c")
    q0 = wid * QPW
    iot = lax.iota(jnp.int32, L)
    C0 = jnp.full((L,), NEG, jnp.float32)
    CI0 = jnp.zeros((L,), jnp.int32)

    pltpu.sync_copy(gmax_hbm.at[pl.ds(q0, QPW)], gmaxbuf)

    def pass1(i, _):
        def s1(j, carry):
            C_, CI_ = carry
            X = gmaxbuf[i, pl.ds(j * L, L)]
            return _merge16(C_, CI_, X, j * L + iot)

        C, CI = lax.fori_loop(0, NGRP // L, s1, (C0, CI0))
        rowidx[pl.ds(i * L, L)] = (q0 + i) * NGRP + CI
        cbs[pl.ds(i * L, L)] = CI * GRP
        return 0

    lax.fori_loop(0, QPW, pass1, 0)

    cps = [
        pltpu.async_copy(
            simtab_hbm.at[rowidx.at[pl.ds(kk * 128, 128)]],
            gbuf.at[pl.ds(kk * 128, 128)], sem)
        for kk in range(QPW * L // 128)
    ]
    for cp in cps:
        cp.wait()

    def pass2(i, _):
        def s2r(r, carry):
            rowid = i * L + r
            base = plsc.load_gather(cbs, [jnp.full((L,), rowid, jnp.int32)])

            def s2j(j, carry2):
                C2_, C2I_ = carry2
                X = gbuf[rowid, pl.ds(j * L, L)]
                return _merge16(C2_, C2I_, X, base + j * L + iot)

            return lax.fori_loop(0, GRP // L, s2j, carry)

        C2, C2I = lax.fori_loop(0, 10, s2r, (C0, CI0))

        Ci = C2I
        for p in range(4):
            if p % 2 == 0:
                partner = iot ^ 1
            else:
                up = jnp.where(iot % 2 == 1, iot + 1, iot - 1)
                partner = jnp.where((up < 0) | (up > L - 1), iot, up)
            tmpv[...] = C2
            tmpi[...] = Ci
            pv = plsc.load_gather(tmpv, [partner])
            pi = plsc.load_gather(tmpi, [partner])
            tie = C2 == pv
            mn = jnp.minimum(Ci, pi)
            mx = jnp.maximum(Ci, pi)
            Ci = jnp.where(tie, jnp.where(iot < partner, mn, mx), Ci)

        vbuf[i, :] = C2
        ibuf[i, :] = Ci
        return 0

    lax.fori_loop(0, QPW, pass2, 0)
    pltpu.sync_copy(vbuf, vals_hbm.at[pl.ds(q0, QPW)])
    pltpu.sync_copy(ibuf, idx_hbm.at[pl.ds(q0, QPW)])


@jax.jit
def _phase2(gmax2, simtab):
    return pl.kernel(
        _topk_body,
        mesh=plsc.VectorSubcoreMesh(core_axis_name="c", subcore_axis_name="s"),
        compiler_params=pltpu.CompilerParams(needs_layout_passes=False),
        out_type=[
            jax.ShapeDtypeStruct((Q, L), jnp.float32),
            jax.ShapeDtypeStruct((Q, L), jnp.int32),
        ],
        scratch_types=[
            pltpu.VMEM((QPW, NGRP), jnp.float32),
            pltpu.VMEM((QPW * L,), jnp.int32),
            pltpu.VMEM((QPW * L, GRP), jnp.float32),
            pltpu.VMEM((QPW * L,), jnp.int32),
            pltpu.VMEM((QPW, L), jnp.float32),
            pltpu.VMEM((QPW, L), jnp.int32),
            pltpu.VMEM((L,), jnp.float32),
            pltpu.VMEM((L,), jnp.int32),
            pltpu.SemaphoreType.DMA,
        ],
    )(gmax2, simtab)


def kernel(queries, keys, k):
    qn = queries / (jnp.linalg.norm(queries, axis=-1, keepdims=True) + 1e-8)
    knp = (jnp.linalg.norm(keys, axis=-1, keepdims=True) + 1e-8).reshape(N)
    sim3, gmax3 = _phase1(qn, keys, knp)
    gmax2 = gmax3.transpose(1, 0, 2).reshape(Q, NGRP)
    simtab = sim3.reshape(Q * NGRP, GRP)
    vals16, idx16 = _phase2(gmax2, simtab)
    k_arr = jnp.asarray(k)
    vals = vals16[:, :10] + (k_arr * 0).astype(vals16.dtype)
    idx = idx16[:, :10] + (k_arr * 0).astype(idx16.dtype)
    return vals, idx

# --- scband reference (transcript-rebuilt; emitter-appended) ---
"""Pipeline reference for scband-retrieval-database-21801253994861 (READ-ONLY COPY).

The authoritative reference and input builder live on the scoring server;
editing this copy changes nothing except your own understanding.
"""

import jax, jax.numpy as jnp
import numpy as np


def setup_inputs(seed: int = 0) -> dict:
    key = jax.random.key(seed)
    kq, kk = jax.random.split(key)
    queries = jax.random.normal(kq, (1024, 768), dtype=jnp.float32)
    keys = jax.random.normal(kk, (100000, 768), dtype=jnp.float32)
    return {"queries": queries, "keys": keys, "k": 10}


def reference(queries, keys, k):
    # L2-normalize query and database embeddings (as done via F.normalize in the
    # TMR text/motion wrappers feeding this retrieval database), then compute
    # cosine similarity and retrieve the top-k nearest neighbors.
    q = queries / (jnp.linalg.norm(queries, axis=-1, keepdims=True) + 1e-8)
    db = keys / (jnp.linalg.norm(keys, axis=-1, keepdims=True) + 1e-8)
    sim = q @ db.T  # [Q, K] cosine similarity matrix
    k_arr = jnp.asarray(k)
    vals, idx = jax.lax.top_k(sim, 10)
    vals = vals + (k_arr * 0).astype(vals.dtype)
    idx = idx + (k_arr * 0).astype(idx.dtype)
    return vals, idx

if __name__ == "__main__":
    import jax
    _d = setup_inputs()
    print(jax.jit(kernel)(*tuple(_d.values())))

</pallas_src>

<mosaic_0001>
#map = affine_map<(d0, d1) -> (0, 0)>
module attributes {stable_mosaic.version = 14 : i64} {
  func.func @_topk_body(%arg0: i32, %arg1: i32, %arg2: memref<1024x784xf32, #tpu.memory_space<hbm>>, %arg3: memref<802816x128xf32, #tpu.memory_space<hbm>>, %arg4: memref<1024x16xf32, #tpu.memory_space<hbm>>, %arg5: memref<1024x16xi32, #tpu.memory_space<hbm>>, %arg6: memref<32x784xf32, #tpu.memory_space<vmem>>, %arg7: memref<512xi32, #tpu.memory_space<vmem>>, %arg8: memref<512x128xf32, #tpu.memory_space<vmem>>, %arg9: memref<512xi32, #tpu.memory_space<vmem>>, %arg10: memref<32x16xf32, #tpu.memory_space<vmem>>, %arg11: memref<32x16xi32, #tpu.memory_space<vmem>>, %arg12: memref<16xf32, #tpu.memory_space<vmem>>, %arg13: memref<16xi32, #tpu.memory_space<vmem>>, %arg14: memref<!tpu.dma_semaphore, #tpu.memory_space<semaphore_mem>>) attributes {dimension_semantics = [#tpu.dimension_semantics<core_parallel>, #tpu.dimension_semantics<subcore_parallel>], iteration_bounds = array<i64: 2, 16>, scalar_prefetch = 0 : i64, scratch_operands = 9 : i64, tpu.core_type = #tpu.core_type<sc_vector_subcore>, window_params = [{transform_indices = #map}, {transform_indices = #map}, {transform_indices = #map}, {transform_indices = #map}]} {
    %mul3A = arith.constant 2 : i32
    %mul3A_0 = arith.muli %arg1, %mul3A : i32
    %add3A = arith.addi %mul3A_0, %arg0 : i32
    %mul3A_1 = arith.constant 32 : i32
    %mul3A_2 = arith.muli %add3A, %mul3A_1 : i32
    %iota3A = tpu.iota {dimensions = array<i32: 0>} : vector<16xi32>
    %broadcast_in_dim3A = arith.constant -1.000000e+30 : f32
    %broadcast_in_dim3A_3 = vector.broadcast %broadcast_in_dim3A : f32 to vector<16xf32>
    %broadcast_in_dim3A_4 = arith.constant 0 : i32
    %broadcast_in_dim3A_5 = vector.broadcast %broadcast_in_dim3A_4 : i32 to vector<16xi32>
    "tpu.region"() ({
      %run_scoped3A = tpu.sem_alloc : memref<!tpu.dma_semaphore, #tpu.memory_space<semaphore_mem>>
      %dma_start3A_81 = arith.constant 0 : i32
      %dma_start3A_82 = tpu.memref_slice %arg2[%mul3A_2, %dma_start3A_81] : memref<1024x784xf32, #tpu.memory_space<hbm>> -> memref<32x784xf32, #tpu.memory_space<hbm>>
      %dma_start3A_83 = arith.constant 0 : i32
      %dma_start3A_84 = tpu.memref_slice %arg2[%mul3A_2, %dma_start3A_83] : memref<1024x784xf32, #tpu.memory_space<hbm>> -> memref<32x784xf32, #tpu.memory_space<hbm>>
      tpu.enqueue_dma source(%dma_start3A_84 : memref<32x784xf32, #tpu.memory_space<hbm>>) target(%arg6 : memref<32x784xf32, #tpu.memory_space<vmem>>) target_semaphore(%run_scoped3A : memref<!tpu.dma_semaphore, #tpu.memory_space<semaphore_mem>>)
      %dma_wait3A_85 = arith.constant 0 : i32
      %dma_wait3A_86 = tpu.memref_slice %arg2[%mul3A_2, %dma_wait3A_85] : memref<1024x784xf32, #tpu.memory_space<hbm>> -> memref<32x784xf32, #tpu.memory_space<hbm>>
      %dma_wait3A_87 = arith.constant 0 : i32
      %dma_wait3A_88 = tpu.memref_slice %arg2[%mul3A_2, %dma_wait3A_87] : memref<1024x784xf32, #tpu.memory_space<hbm>> -> memref<32x784xf32, #tpu.memory_space<hbm>>
      tpu.wait_dma2 semaphore(%run_scoped3A : memref<!tpu.dma_semaphore, #tpu.memory_space<semaphore_mem>>) src(%dma_wait3A_88 : memref<32x784xf32, #tpu.memory_space<hbm>>) dst(%arg6 : memref<32x784xf32, #tpu.memory_space<vmem>>)
      tpu.yield
    }) : () -> ()
    %scan3A = arith.constant 0 : i32
    %scan3A_6 = arith.constant 0 : i32
    %scan3A_7 = arith.constant 32 : i32
    %scan3A_8 = arith.addi %scan3A_6, %scan3A_7 : i32
    %scan3A_9 = arith.constant 1 : i32
    %scan3A_10 = scf.for %scan3A_81 = %scan3A_6 to %scan3A_8 step %scan3A_9 iter_args(%scan3A_82 = %scan3A) -> (i32)  : i32 {
      %scan3A_83 = arith.constant 0 : i32
      %scan3A_84 = arith.constant 49 : i32
      %scan3A_85 = arith.addi %scan3A_83, %scan3A_84 : i32
      %scan3A_86 = arith.constant 1 : i32
      %scan3A_87:2 = scf.for %scan3A_105 = %scan3A_83 to %scan3A_85 step %scan3A_86 iter_args(%scan3A_106 = %broadcast_in_dim3A_3, %scan3A_107 = %broadcast_in_dim3A_5) -> (vector<16xf32>, vector<16xi32>)  : i32 {
        %mul3A_108 = arith.constant 16 : i32
        %mul3A_109 = arith.muli %scan3A_105, %mul3A_108 : i32
        %get3A = arith.index_cast %scan3A_81 : i32 to index
        %get3A_110 = arith.index_cast %mul3A_109 : i32 to index
        %get3A_111 = tpu.vector_load %arg6[%get3A, %get3A_110] {strides = array<i32>} : memref<32x784xf32, #tpu.memory_space<vmem>>, vector<16xf32>,
        %mul3A_112 = arith.constant 16 : i32
        %mul3A_113 = arith.muli %scan3A_105, %mul3A_112 : i32
        %add3A_114 = vector.broadcast %mul3A_113 : i32 to vector<16xi32>
        %add3A_115 = arith.addi %add3A_114, %iota3A : vector<16xi32>
        %masked_sort3A = arith.constant dense<true> : vector<16xi1>
        %masked_sort3A_116, %masked_sort3A_117, %masked_sort3A_118 = tpu.sort %get3A_111, %add3A_115 masked %masked_sort3A : (vector<16xf32>, vector<16xi32>, vector<16xi1>) -> (vector<16xi1>, vector<16xf32>, vector<16xi32>)
        %gt3A = arith.cmpf ogt, %masked_sort3A_117, %scan3A_106 : vector<16xf32>
        %select_n3A = arith.select %gt3A, %masked_sort3A_117, %scan3A_106 : vector<16xi1>, vector<16xf32>
        %select_n3A_119 = arith.select %gt3A, %masked_sort3A_118, %scan3A_107 : vector<16xi1>, vector<16xi32>
        %masked_sort3A_120 = arith.constant dense<true> : vector<16xi1>
        %masked_sort3A_121, %masked_sort3A_122, %masked_sort3A_123 = tpu.sort %select_n3A, %select_n3A_119 masked %masked_sort3A_120 {descending = true} : (vector<16xf32>, vector<16xi32>, vector<16xi1>) -> (vector<16xi1>, vector<16xf32>, vector<16xi32>)
        scf.yield %masked_sort3A_122, %masked_sort3A_123 : vector<16xf32>, vector<16xi32>
      }
      %scan3A_88 = arith.constant 49 : i32
      %add3A_89 = arith.addi %mul3A_2, %scan3A_81 : i32
      %mul3A_90 = arith.constant 784 : i32
      %mul3A_91 = arith.muli %add3A_89, %mul3A_90 : i32
      %add3A_92 = vector.broadcast %mul3A_91 : i32 to vector<16xi32>
      %add3A_93 = arith.addi %add3A_92, %scan3A_87#1 : vector<16xi32>
      %mul3A_94 = arith.constant 16 : i32
      %mul3A_95 = arith.muli %scan3A_81, %mul3A_94 : i32
      %swap3A = arith.index_cast %mul3A_95 : i32 to index
      %swap3A_96 = tpu.vector_load %arg7[%swap3A] {strides = array<i32>} : memref<512xi32, #tpu.memory_space<vmem>>, vector<16xi32>,
      tpu.vector_store %arg7[%swap3A], %add3A_93 {strides = array<i32>} : memref<512xi32, #tpu.memory_space<vmem>>, vector<16xi32>,
      %mul3A_97 = arith.constant 128 : i32
      %mul3A_98 = vector.broadcast %mul3A_97 : i32 to vector<16xi32>
      %mul3A_99 = arith.muli %scan3A_87#1, %mul3A_98 : vector<16xi32>
      %mul3A_100 = arith.constant 16 : i32
      %mul3A_101 = arith.muli %scan3A_81, %mul3A_100 : i32
      %swap3A_102 = arith.index_cast %mul3A_101 : i32 to index
      %swap3A_103 = tpu.vector_load %arg9[%swap3A_102] {strides = array<i32>} : memref<512xi32, #tpu.memory_space<vmem>>, vector<16xi32>,
      tpu.vector_store %arg9[%swap3A_102], %mul3A_99 {strides = array<i32>} : memref<512xi32, #tpu.memory_space<vmem>>, vector<16xi32>,
      %scan3A_104 = arith.constant 0 : i32
      scf.yield %scan3A_104 : i32
    }
    %scan3A_11 = arith.constant 32 : i32
    %dma_start3A = arith.constant 0 : i32
    %dma_start3A_12 = arith.constant 0 : i32
    %dma_start3A_13 = tpu.memref_slice %arg8[%dma_start3A, %dma_start3A_12] : memref<512x128xf32, #tpu.memory_space<vmem>> -> memref<128x128xf32, #tpu.memory_space<vmem>>
    %dma_start3A_14 = arith.constant 0 : i32
    %dma_start3A_15 = tpu.memref_slice %arg7[%dma_start3A_14] : memref<512xi32, #tpu.memory_space<vmem>> -> memref<128xi32, #tpu.memory_space<vmem>>
    %dma_start3A_16 = arith.constant 0 : i32
    %dma_start3A_17 = arith.constant 0 : i32
    %dma_start3A_18 = tpu.memref_slice %arg3[%dma_start3A_16, %dma_start3A_17] : memref<802816x128xf32, #tpu.memory_space<hbm>> -> memref<802816x128xf32, #tpu.memory_space<hbm>>
    tpu.enqueue_indirect_dma source(%dma_start3A_18 : memref<802816x128xf32, #tpu.memory_space<hbm>>) target(%dma_start3A_13 : memref<128x128xf32, #tpu.memory_space<vmem>>) offsets(%dma_start3A_15 : memref<128xi32, #tpu.memory_space<vmem>>) semaphore(%arg14 : memref<!tpu.dma_semaphore, #tpu.memory_space<semaphore_mem>>)
    %dma_start3A_19 = arith.constant 128 : i32
    %dma_start3A_20 = arith.constant 0 : i32
    %dma_start3A_21 = tpu.memref_slice %arg8[%dma_start3A_19, %dma_start3A_20] : memref<512x128xf32, #tpu.memory_space<vmem>> -> memref<128x128xf32, #tpu.memory_space<vmem>>
    %dma_start3A_22 = arith.constant 128 : i32
    %dma_start3A_23 = tpu.memref_slice %arg7[%dma_start3A_22] : memref<512xi32, #tpu.memory_space<vmem>> -> memref<128xi32, #tpu.memory_space<vmem>>
    %dma_start3A_24 = arith.constant 0 : i32
    %dma_start3A_25 = arith.constant 0 : i32
    %dma_start3A_26 = tpu.memref_slice %arg3[%dma_start3A_24, %dma_start3A_25] : memref<802816x128xf32, #tpu.memory_space<hbm>> -> memref<802816x128xf32, #tpu.memory_space<hbm>>
    tpu.enqueue_indirect_dma source(%dma_start3A_26 : memref<802816x128xf32, #tpu.memory_space<hbm>>) target(%dma_start3A_21 : memref<128x128xf32, #tpu.memory_space<vmem>>) offsets(%dma_start3A_23 : memref<128xi32, #tpu.memory_space<vmem>>) semaphore(%arg14 : memref<!tpu.dma_semaphore, #tpu.memory_space<semaphore_mem>>)
    %dma_start3A_27 = arith.constant 256 : i32
    %dma_start3A_28 = arith.constant 0 : i32
    %dma_start3A_29 = tpu.memref_slice %arg8[%dma_start3A_27, %dma_start3A_28] : memref<512x128xf32, #tpu.memory_space<vmem>> -> memref<128x128xf32, #tpu.memory_space<vmem>>
    %dma_start3A_30 = arith.constant 256 : i32
    %dma_start3A_31 = tpu.memref_slice %arg7[%dma_start3A_30] : memref<512xi32, #tpu.memory_space<vmem>> -> memref<128xi32, #tpu.memory_space<vmem>>
    %dma_start3A_32 = arith.constant 0 : i32
    %dma_start3A_33 = arith.constant 0 : i32
    %dma_start3A_34 = tpu.memref_slice %arg3[%dma_start3A_32, %dma_start3A_33] : memref<802816x128xf32, #tpu.memory_space<hbm>> -> memref<802816x128xf32, #tpu.memory_space<hbm>>
    tpu.enqueue_indirect_dma source(%dma_start3A_34 : memref<802816x128xf32, #tpu.memory_space<hbm>>) target(%dma_start3A_29 : memref<128x128xf32, #tpu.memory_space<vmem>>) offsets(%dma_start3A_31 : memref<128xi32, #tpu.memory_space<vmem>>) semaphore(%arg14 : memref<!tpu.dma_semaphore, #tpu.memory_space<semaphore_mem>>)
    %dma_start3A_35 = arith.constant 384 : i32
    %dma_start3A_36 = arith.constant 0 : i32
    %dma_start3A_37 = tpu.memref_slice %arg8[%dma_start3A_35, %dma_start3A_36] : memref<512x128xf32, #tpu.memory_space<vmem>> -> memref<128x128xf32, #tpu.memory_space<vmem>>
    %dma_start3A_38 = arith.constant 384 : i32
    %dma_start3A_39 = tpu.memref_slice %arg7[%dma_start3A_38] : memref<512xi32, #tpu.memory_space<vmem>> -> memref<128xi32, #tpu.memory_space<vmem>>
    %dma_start3A_40 = arith.constant 0 : i32
    %dma_start3A_41 = arith.constant 0 : i32
    %dma_start3A_42 = tpu.memref_slice %arg3[%dma_start3A_40, %dma_start3A_41] : memref<802816x128xf32, #tpu.memory_space<hbm>> -> memref<802816x128xf32, #tpu.memory_space<hbm>>
    tpu.enqueue_indirect_dma source(%dma_start3A_42 : memref<802816x128xf32, #tpu.memory_space<hbm>>) target(%dma_start3A_37 : memref<128x128xf32, #tpu.memory_space<vmem>>) offsets(%dma_start3A_39 : memref<128xi32, #tpu.memory_space<vmem>>) semaphore(%arg14 : memref<!tpu.dma_semaphore, #tpu.memory_space<semaphore_mem>>)
    %dma_wait3A = arith.constant 0 : i32
    %dma_wait3A_43 = arith.constant 0 : i32
    %dma_wait3A_44 = tpu.memref_slice %arg8[%dma_wait3A, %dma_wait3A_43] : memref<512x128xf32, #tpu.memory_space<vmem>> -> memref<128x128xf32, #tpu.memory_space<vmem>>
    %dma_wait3A_45 = arith.constant 0 : i32
    %dma_wait3A_46 = tpu.memref_slice %arg7[%dma_wait3A_45] : memref<512xi32, #tpu.memory_space<vmem>> -> memref<128xi32, #tpu.memory_space<vmem>>
    %dma_wait3A_47 = arith.constant 0 : i32
    %dma_wait3A_48 = arith.constant 0 : i32
    %dma_wait3A_49 = tpu.memref_slice %arg3[%dma_wait3A_47, %dma_wait3A_48] : memref<802816x128xf32, #tpu.memory_space<hbm>> -> memref<802816x128xf32, #tpu.memory_space<hbm>>
    tpu.wait_indirect_dma semaphore(%arg14 : memref<!tpu.dma_semaphore, #tpu.memory_space<semaphore_mem>>) src(%dma_wait3A_49 : memref<802816x128xf32, #tpu.memory_space<hbm>>) dst(%dma_wait3A_44 : memref<128x128xf32, #tpu.memory_space<vmem>>)
    %dma_wait3A_50 = arith.constant 128 : i32
    %dma_wait3A_51 = arith.constant 0 : i32
    %dma_wait3A_52 = tpu.memref_slice %arg8[%dma_wait3A_50, %dma_wait3A_51] : memref<512x128xf32, #tpu.memory_space<vmem>> -> memref<128x128xf32, #tpu.memory_space<vmem>>
    %dma_wait3A_53 = arith.constant 128 : i32
    %dma_wait3A_54 = tpu.memref_slice %arg7[%dma_wait3A_53] : memref<512xi32, #tpu.memory_space<vmem>> -> memref<128xi32, #tpu.memory_space<vmem>>
    %dma_wait3A_55 = arith.constant 0 : i32
    %dma_wait3A_56 = arith.constant 0 : i32
    %dma_wait3A_57 = tpu.memref_slice %arg3[%dma_wait3A_55, %dma_wait3A_56] : memref<802816x128xf32, #tpu.memory_space<hbm>> -> memref<802816x128xf32, #tpu.memory_space<hbm>>
    tpu.wait_indirect_dma semaphore(%arg14 : memref<!tpu.dma_semaphore, #tpu.memory_space<semaphore_mem>>) src(%dma_wait3A_57 : memref<802816x128xf32, #tpu.memory_space<hbm>>) dst(%dma_wait3A_52 : memref<128x128xf32, #tpu.memory_space<vmem>>)
    %dma_wait3A_58 = arith.constant 256 : i32
    %dma_wait3A_59 = arith.constant 0 : i32
    %dma_wait3A_60 = tpu.memref_slice %arg8[%dma_wait3A_58, %dma_wait3A_59] : memref<512x128xf32, #tpu.memory_space<vmem>> -> memref<128x128xf32, #tpu.memory_space<vmem>>
    %dma_wait3A_61 = arith.constant 256 : i32
    %dma_wait3A_62 = tpu.memref_slice %arg7[%dma_wait3A_61] : memref<512xi32, #tpu.memory_space<vmem>> -> memref<128xi32, #tpu.memory_space<vmem>>
    %dma_wait3A_63 = arith.constant 0 : i32
    %dma_wait3A_64 = arith.constant 0 : i32
    %dma_wait3A_65 = tpu.memref_slice %arg3[%dma_wait3A_63, %dma_wait3A_64] : memref<802816x128xf32, #tpu.memory_space<hbm>> -> memref<802816x128xf32, #tpu.memory_space<hbm>>
    tpu.wait_indirect_dma semaphore(%arg14 : memref<!tpu.dma_semaphore, #tpu.memory_space<semaphore_mem>>) src(%dma_wait3A_65 : memref<802816x128xf32, #tpu.memory_space<hbm>>) dst(%dma_wait3A_60 : memref<128x128xf32, #tpu.memory_space<vmem>>)
    %dma_wait3A_66 = arith.constant 384 : i32
    %dma_wait3A_67 = arith.constant 0 : i32
    %dma_wait3A_68 = tpu.memref_slice %arg8[%dma_wait3A_66, %dma_wait3A_67] : memref<512x128xf32, #tpu.memory_space<vmem>> -> memref<128x128xf32, #tpu.memory_space<vmem>>
    %dma_wait3A_69 = arith.constant 384 : i32
    %dma_wait3A_70 = tpu.memref_slice %arg7[%dma_wait3A_69] : memref<512xi32, #tpu.memory_space<vmem>> -> memref<128xi32, #tpu.memory_space<vmem>>
    %dma_wait3A_71 = arith.constant 0 : i32
    %dma_wait3A_72 = arith.constant 0 : i32
    %dma_wait3A_73 = tpu.memref_slice %arg3[%dma_wait3A_71, %dma_wait3A_72] : memref<802816x128xf32, #tpu.memory_space<hbm>> -> memref<802816x128xf32, #tpu.memory_space<hbm>>
    tpu.wait_indirect_dma semaphore(%arg14 : memref<!tpu.dma_semaphore, #tpu.memory_space<semaphore_mem>>) src(%dma_wait3A_73 : memref<802816x128xf32, #tpu.memory_space<hbm>>) dst(%dma_wait3A_68 : memref<128x128xf32, #tpu.memory_space<vmem>>)
    %scan3A_74 = arith.constant 0 : i32
    %scan3A_75 = arith.constant 0 : i32
    %scan3A_76 = arith.constant 32 : i32
    %scan3A_77 = arith.addi %scan3A_75, %scan3A_76 : i32
    %scan3A_78 = arith.constant 1 : i32
    %scan3A_79 = scf.for %scan3A_81 = %scan3A_75 to %scan3A_77 step %scan3A_78 iter_args(%scan3A_82 = %scan3A_74) -> (i32)  : i32 {
      %scan3A_83 = arith.constant 0 : i32
      %scan3A_84 = arith.constant 10 : i32
      %scan3A_85 = arith.addi %scan3A_83, %scan3A_84 : i32
      %scan3A_86 = arith.constant 1 : i32
      %scan3A_87:2 = scf.for %scan3A_215 = %scan3A_83 to %scan3A_85 step %scan3A_86 iter_args(%scan3A_216 = %broadcast_in_dim3A_3, %scan3A_217 = %broadcast_in_dim3A_5) -> (vector<16xf32>, vector<16xi32>)  : i32 {
        %mul3A_218 = arith.constant 16 : i32
        %mul3A_219 = arith.muli %scan3A_81, %mul3A_218 : i32
        %add3A_220 = arith.addi %mul3A_219, %scan3A_215 : i32
        %broadcast_in_dim3A_221 = vector.broadcast %add3A_220 : i32 to vector<16xi32>
        %gather3A_222 = tpu.vector_load_idx %arg9[%broadcast_in_dim3A_221] : memref<512xi32, #tpu.memory_space<vmem>>[vector<16xi32>], vector<16xi32>,
        %scan3A_223 = arith.constant 0 : i32
        %scan3A_224 = arith.constant 8 : i32
        %scan3A_225 = arith.addi %scan3A_223, %scan3A_224 : i32
        %scan3A_226 = arith.constant 1 : i32
        %scan3A_227:2 = scf.for %scan3A_229 = %scan3A_223 to %scan3A_225 step %scan3A_226 iter_args(%scan3A_230 = %scan3A_216, %scan3A_231 = %scan3A_217) -> (vector<16xf32>, vector<16xi32>)  : i32 {
          %mul3A_232 = arith.constant 16 : i32
          %mul3A_233 = arith.muli %scan3A_229, %mul3A_232 : i32
          %get3A = arith.index_cast %add3A_220 : i32 to index
          %get3A_234 = arith.index_cast %mul3A_233 : i32 to index
          %get3A_235 = tpu.vector_load %arg8[%get3A, %get3A_234] {strides = array<i32>} : memref<512x128xf32, #tpu.memory_space<vmem>>, vector<16xf32>,
          %mul3A_236 = arith.constant 16 : i32
          %mul3A_237 = arith.muli %scan3A_229, %mul3A_236 : i32
          %add3A_238 = vector.broadcast %mul3A_237 : i32 to vector<16xi32>
          %add3A_239 = arith.addi %gather3A_222, %add3A_238 : vector<16xi32>
          %add3A_240 = arith.addi %add3A_239, %iota3A : vector<16xi32>
          %masked_sort3A = arith.constant dense<true> : vector<16xi1>
          %masked_sort3A_241, %masked_sort3A_242, %masked_sort3A_243 = tpu.sort %get3A_235, %add3A_240 masked %masked_sort3A : (vector<16xf32>, vector<16xi32>, vector<16xi1>) -> (vector<16xi1>, vector<16xf32>, vector<16xi32>)
          %gt3A_244 = arith.cmpf ogt, %masked_sort3A_242, %scan3A_230 : vector<16xf32>
          %select_n3A_245 = arith.select %gt3A_244, %masked_sort3A_242, %scan3A_230 : vector<16xi1>, vector<16xf32>
          %select_n3A_246 = arith.select %gt3A_244, %masked_sort3A_243, %scan3A_231 : vector<16xi1>, vector<16xi32>
          %masked_sort3A_247 = arith.constant dense<true> : vector<16xi1>
          %masked_sort3A_248, %masked_sort3A_249, %masked_sort3A_250 = tpu.sort %select_n3A_245, %select_n3A_246 masked %masked_sort3A_247 {descending = true} : (vector<16xf32>, vector<16xi32>, vector<16xi1>) -> (vector<16xi1>, vector<16xf32>, vector<16xi32>)
          scf.yield %masked_sort3A_249, %masked_sort3A_250 : vector<16xf32>, vector<16xi32>
        }
        %scan3A_228 = arith.constant 8 : i32
        scf.yield %scan3A_227#0, %scan3A_227#1 : vector<16xf32>, vector<16xi32>
      }
      %scan3A_88 = arith.constant 10 : i32
      %xor3A = arith.constant 1 : i32
      %xor3A_89 = vector.broadcast %xor3A : i32 to vector<16xi32>
      %xor3A_90 = arith.xori %iota3A, %xor3A_89 : vector<16xi32>
      %swap3A = arith.constant 0 : index
      %swap3A_91 = tpu.vector_load %arg12[%swap3A] {strides = array<i32>} : memref<16xf32, #tpu.memory_space<vmem>>, vector<16xf32>,
      tpu.vector_store %arg12[%swap3A], %scan3A_87#0 {strides = array<i32>} : memref<16xf32, #tpu.memory_space<vmem>>, vector<16xf32>,
      %swap3A_92 = arith.constant 0 : index
      %swap3A_93 = tpu.vector_load %arg13[%swap3A_92] {strides = array<i32>} : memref<16xi32, #tpu.memory_space<vmem>>, vector<16xi32>,
      tpu.vector_store %arg13[%swap3A_92], %scan3A_87#1 {strides = array<i32>} : memref<16xi32, #tpu.memory_space<vmem>>, vector<16xi32>,
      %gather3A = tpu.vector_load_idx %arg12[%xor3A_90] : memref<16xf32, #tpu.memory_space<vmem>>[vector<16xi32>], vector<16xf32>,
      %gather3A_94 = tpu.vector_load_idx %arg13[%xor3A_90] : memref<16xi32, #tpu.memory_space<vmem>>[vector<16xi32>], vector<16xi32>,
      %eq3A = arith.cmpf oeq, %scan3A_87#0, %gather3A : vector<16xf32>
      %min3A = arith.minsi %scan3A_87#1, %gather3A_94 : vector<16xi32>
      %max3A = arith.maxsi %scan3A_87#1, %gather3A_94 : vector<16xi32>
      %lt3A = arith.cmpi slt, %iota3A, %xor3A_90 : vector<16xi32>
      %select_n3A = arith.select %lt3A, %min3A, %max3A : vector<16xi1>, vector<16xi32>
      %select_n3A_95 = arith.select %eq3A, %select_n3A, %scan3A_87#1 : vector<16xi1>, vector<16xi32>
      %jit3A = arith.constant 2 : i32
      %eq3A_96 = arith.constant 0 : i32
      %eq3A_97 = arith.cmpi eq, %jit3A, %eq3A_96 : i32
      %jit3A_98 = arith.constant 1 : i32
      %select_n3A_99 = arith.select %eq3A_97, %jit3A_98, %jit3A : i32
      %rem3A = vector.broadcast %select_n3A_99 : i32 to vector<16xi32>
      %rem3A_100 = arith.remsi %iota3A, %rem3A : vector<16xi32>
      %ne3A = arith.constant 0 : i32
      %ne3A_101 = vector.broadcast %ne3A : i32 to vector<16xi32>
      %ne3A_102 = arith.cmpi ne, %rem3A_100, %ne3A_101 : vector<16xi32>
      %lt3A_103 = arith.constant 0 : i32
      %lt3A_104 = vector.broadcast %lt3A_103 : i32 to vector<16xi32>
      %lt3A_105 = arith.cmpi slt, %rem3A_100, %lt3A_104 : vector<16xi32>
      %lt3A_106 = arith.constant 0 : i32
      %lt3A_107 = arith.cmpi slt, %select_n3A_99, %lt3A_106 : i32
      %ne3A_108 = vector.broadcast %lt3A_107 : i1 to vector<16xi1>
      %ne3A_109 = vector.broadcast %ne3A_108 : vector<16xi1> to vector<16xi1>
      %ne3A_110 = arith.xori %lt3A_105, %ne3A_109 : vector<16xi1>
      %and3A = arith.andi %ne3A_110, %ne3A_102 : vector<16xi1>
      %add3A_111 = vector.broadcast %select_n3A_99 : i32 to vector<16xi32>
      %add3A_112 = arith.addi %rem3A_100, %add3A_111 : vector<16xi32>
      %select_n3A_113 = arith.select %and3A, %add3A_112, %rem3A_100 : vector<16xi1>, vector<16xi32>
      %eq3A_114 = arith.constant 1 : i32
      %eq3A_115 = vector.broadcast %eq3A_114 : i32 to vector<16xi32>
      %eq3A_116 = arith.cmpi eq, %select_n3A_113, %eq3A_115 : vector<16xi32>
      %add3A_117 = arith.constant 1 : i32
      %add3A_118 = vector.broadcast %add3A_117 : i32 to vector<16xi32>
      %add3A_119 = arith.addi %iota3A, %add3A_118 : vector<16xi32>
      %sub3A = arith.constant 1 : i32
      %sub3A_120 = vector.broadcast %sub3A : i32 to vector<16xi32>
      %sub3A_121 = arith.subi %iota3A, %sub3A_120 : vector<16xi32>
      %select_n3A_122 = arith.select %eq3A_116, %add3A_119, %sub3A_121 : vector<16xi1>, vector<16xi32>
      %lt3A_123 = arith.constant 0 : i32
      %lt3A_124 = vector.broadcast %lt3A_123 : i32 to vector<16xi32>
      %lt3A_125 = arith.cmpi slt, %select_n3A_122, %lt3A_124 : vector<16xi32>
      %gt3A = arith.constant 15 : i32
      %gt3A_126 = vector.broadcast %gt3A : i32 to vector<16xi32>
      %gt3A_127 = arith.cmpi sgt, %select_n3A_122, %gt3A_126 : vector<16xi32>
      %or3A = arith.ori %lt3A_125, %gt3A_127 : vector<16xi1>
      %select_n3A_128 = arith.select %or3A, %iota3A, %select_n3A_122 : vector<16xi1>, vector<16xi32>
      %swap3A_129 = arith.constant 0 : index
      %swap3A_130 = tpu.vector_load %arg12[%swap3A_129] {strides = array<i32>} : memref<16xf32, #tpu.memory_space<vmem>>, vector<16xf32>,
      tpu.vector_store %arg12[%swap3A_129], %scan3A_87#0 {strides = array<i32>} : memref<16xf32, #tpu.memory_space<vmem>>, vector<16xf32>,
      %swap3A_131 = arith.constant 0 : index
      %swap3A_132 = tpu.vector_load %arg13[%swap3A_131] {strides = array<i32>} : memref<16xi32, #tpu.memory_space<vmem>>, vector<16xi32>,
      tpu.vector_store %arg13[%swap3A_131], %select_n3A_95 {strides = array<i32>} : memref<16xi32, #tpu.memory_space<vmem>>, vector<16xi32>,
      %gather3A_133 = tpu.vector_load_idx %arg12[%select_n3A_128] : memref<16xf32, #tpu.memory_space<vmem>>[vector<16xi32>], vector<16xf32>,
      %gather3A_134 = tpu.vector_load_idx %arg13[%select_n3A_128] : memref<16xi32, #tpu.memory_space<vmem>>[vector<16xi32>], vector<16xi32>,
      %eq3A_135 = arith.cmpf oeq, %scan3A_87#0, %gather3A_133 : vector<16xf32>
      %min3A_136 = arith.minsi %select_n3A_95, %gather3A_134 : vector<16xi32>
      %max3A_137 = arith.maxsi %select_n3A_95, %gather3A_134 : vector<16xi32>
      %lt3A_138 = arith.cmpi slt, %iota3A, %select_n3A_128 : vector<16xi32>
      %select_n3A_139 = arith.select %lt3A_138, %min3A_136, %max3A_137 : vector<16xi1>, vector<16xi32>
      %select_n3A_140 = arith.select %eq3A_135, %select_n3A_139, %select_n3A_95 : vector<16xi1>, vector<16xi32>
      %xor3A_141 = arith.constant 1 : i32
      %xor3A_142 = vector.broadcast %xor3A_141 : i32 to vector<16xi32>
      %xor3A_143 = arith.xori %iota3A, %xor3A_142 : vector<16xi32>
      %swap3A_144 = arith.constant 0 : index
      %swap3A_145 = tpu.vector_load %arg12[%swap3A_144] {strides = array<i32>} : memref<16xf32, #tpu.memory_space<vmem>>, vector<16xf32>,
      tpu.vector_store %arg12[%swap3A_144], %scan3A_87#0 {strides = array<i32>} : memref<16xf32, #tpu.memory_space<vmem>>, vector<16xf32>,
      %swap3A_146 = arith.constant 0 : index
      %swap3A_147 = tpu.vector_load %arg13[%swap3A_146] {strides = array<i32>} : memref<16xi32, #tpu.memory_space<vmem>>, vector<16xi32>,
      tpu.vector_store %arg13[%swap3A_146], %select_n3A_140 {strides = array<i32>} : memref<16xi32, #tpu.memory_space<vmem>>, vector<16xi32>,
      %gather3A_148 = tpu.vector_load_idx %arg12[%xor3A_143] : memref<16xf32, #tpu.memory_space<vmem>>[vector<16xi32>], vector<16xf32>,
      %gather3A_149 = tpu.vector_load_idx %arg13[%xor3A_143] : memref<16xi32, #tpu.memory_space<vmem>>[vector<16xi32>], vector<16xi32>,
      %eq3A_150 = arith.cmpf oeq, %scan3A_87#0, %gather3A_148 : vector<16xf32>
      %min3A_151 = arith.minsi %select_n3A_140, %gather3A_149 : vector<16xi32>
      %max3A_152 = arith.maxsi %select_n3A_140, %gather3A_149 : vector<16xi32>
      %lt3A_153 = arith.cmpi slt, %iota3A, %xor3A_143 : vector<16xi32>
      %select_n3A_154 = arith.select %lt3A_153, %min3A_151, %max3A_152 : vector<16xi1>, vector<16xi32>
      %select_n3A_155 = arith.select %eq3A_150, %select_n3A_154, %select_n3A_140 : vector<16xi1>, vector<16xi32>
      %jit3A_156 = arith.constant 2 : i32
      %eq3A_157 = arith.constant 0 : i32
      %eq3A_158 = arith.cmpi eq, %jit3A_156, %eq3A_157 : i32
      %jit3A_159 = arith.constant 1 : i32
      %select_n3A_160 = arith.select %eq3A_158, %jit3A_159, %jit3A_156 : i32
      %rem3A_161 = vector.broadcast %select_n3A_160 : i32 to vector<16xi32>
      %rem3A_162 = arith.remsi %iota3A, %rem3A_161 : vector<16xi32>
      %ne3A_163 = arith.constant 0 : i32
      %ne3A_164 = vector.broadcast %ne3A_163 : i32 to vector<16xi32>
      %ne3A_165 = arith.cmpi ne, %rem3A_162, %ne3A_164 : vector<16xi32>
      %lt3A_166 = arith.constant 0 : i32
      %lt3A_167 = vector.broadcast %lt3A_166 : i32 to vector<16xi32>
      %lt3A_168 = arith.cmpi slt, %rem3A_162, %lt3A_167 : vector<16xi32>
      %lt3A_169 = arith.constant 0 : i32
      %lt3A_170 = arith.cmpi slt, %select_n3A_160, %lt3A_169 : i32
      %ne3A_171 = vector.broadcast %lt3A_170 : i1 to vector<16xi1>
      %ne3A_172 = vector.broadcast %ne3A_171 : vector<16xi1> to vector<16xi1>
      %ne3A_173 = arith.xori %lt3A_168, %ne3A_172 : vector<16xi1>
      %and3A_174 = arith.andi %ne3A_173, %ne3A_165 : vector<16xi1>
      %add3A_175 = vector.broadcast %select_n3A_160 : i32 to vector<16xi32>
      %add3A_176 = arith.addi %rem3A_162, %add3A_175 : vector<16xi32>
      %select_n3A_177 = arith.select %and3A_174, %add3A_176, %rem3A_162 : vector<16xi1>, vector<16xi32>
      %eq3A_178 = arith.constant 1 : i32
      %eq3A_179 = vector.broadcast %eq3A_178 : i32 to vector<16xi32>
      %eq3A_180 = arith.cmpi eq, %select_n3A_177, %eq3A_179 : vector<16xi32>
      %add3A_181 = arith.constant 1 : i32
      %add3A_182 = vector.broadcast %add3A_181 : i32 to vector<16xi32>
      %add3A_183 = arith.addi %iota3A, %add3A_182 : vector<16xi32>
      %sub3A_184 = arith.constant 1 : i32
      %sub3A_185 = vector.broadcast %sub3A_184 : i32 to vector<16xi32>
      %sub3A_186 = arith.subi %iota3A, %sub3A_185 : vector<16xi32>
      %select_n3A_187 = arith.select %eq3A_180, %add3A_183, %sub3A_186 : vector<16xi1>, vector<16xi32>
      %lt3A_188 = arith.constant 0 : i32
      %lt3A_189 = vector.broadcast %lt3A_188 : i32 to vector<16xi32>
      %lt3A_190 = arith.cmpi slt, %select_n3A_187, %lt3A_189 : vector<16xi32>
      %gt3A_191 = arith.constant 15 : i32
      %gt3A_192 = vector.broadcast %gt3A_191 : i32 to vector<16xi32>
      %gt3A_193 = arith.cmpi sgt, %select_n3A_187, %gt3A_192 : vector<16xi32>
      %or3A_194 = arith.ori %lt3A_190, %gt3A_193 : vector<16xi1>
      %select_n3A_195 = arith.select %or3A_194, %iota3A, %select_n3A_187 : vector<16xi1>, vector<16xi32>
      %swap3A_196 = arith.constant 0 : index
      %swap3A_197 = tpu.vector_load %arg12[%swap3A_196] {strides = array<i32>} : memref<16xf32, #tpu.memory_space<vmem>>, vector<16xf32>,
      tpu.vector_store %arg12[%swap3A_196], %scan3A_87#0 {strides = array<i32>} : memref<16xf32, #tpu.memory_space<vmem>>, vector<16xf32>,
      %swap3A_198 = arith.constant 0 : index
      %swap3A_199 = tpu.vector_load %arg13[%swap3A_198] {strides = array<i32>} : memref<16xi32, #tpu.memory_space<vmem>>, vector<16xi32>,
      tpu.vector_store %arg13[%swap3A_198], %select_n3A_155 {strides = array<i32>} : memref<16xi32, #tpu.memory_space<vmem>>, vector<16xi32>,
      %gather3A_200 = tpu.vector_load_idx %arg12[%select_n3A_195] : memref<16xf32, #tpu.memory_space<vmem>>[vector<16xi32>], vector<16xf32>,
      %gather3A_201 = tpu.vector_load_idx %arg13[%select_n3A_195] : memref<16xi32, #tpu.memory_space<vmem>>[vector<16xi32>], vector<16xi32>,
      %eq3A_202 = arith.cmpf oeq, %scan3A_87#0, %gather3A_200 : vector<16xf32>
      %min3A_203 = arith.minsi %select_n3A_155, %gather3A_201 : vector<16xi32>
      %max3A_204 = arith.maxsi %select_n3A_155, %gather3A_201 : vector<16xi32>
      %lt3A_205 = arith.cmpi slt, %iota3A, %select_n3A_195 : vector<16xi32>
      %select_n3A_206 = arith.select %lt3A_205, %min3A_203, %max3A_204 : vector<16xi1>, vector<16xi32>
      %select_n3A_207 = arith.select %eq3A_202, %select_n3A_206, %select_n3A_155 : vector<16xi1>, vector<16xi32>
      %swap3A_208 = arith.index_cast %scan3A_81 : i32 to index
      %swap3A_209 = arith.constant 0 : index
      %swap3A_210 = tpu.vector_load %arg10[%swap3A_208, %swap3A_209] {strides = array<i32>} : memref<32x16xf32, #tpu.memory_space<vmem>>, vector<16xf32>,
      tpu.vector_store %arg10[%swap3A_208, %swap3A_209], %scan3A_87#0 {strides = array<i32>} : memref<32x16xf32, #tpu.memory_space<vmem>>, vector<16xf32>,
      %swap3A_211 = arith.index_cast %scan3A_81 : i32 to index
      %swap3A_212 = arith.constant 0 : index
      %swap3A_213 = tpu.vector_load %arg11[%swap3A_211, %swap3A_212] {strides = array<i32>} : memref<32x16xi32, #tpu.memory_space<vmem>>, vector<16xi32>,
      tpu.vector_store %arg11[%swap3A_211, %swap3A_212], %select_n3A_207 {strides = array<i32>} : memref<32x16xi32, #tpu.memory_space<vmem>>, vector<16xi32>,
      %scan3A_214 = arith.constant 0 : i32
      scf.yield %scan3A_214 : i32
    }
    %scan3A_80 = arith.constant 32 : i32
    "tpu.region"() ({
      %run_scoped3A = tpu.sem_alloc : memref<!tpu.dma_semaphore, #tpu.memory_space<semaphore_mem>>
      %dma_start3A_81 = arith.constant 0 : i32
      %dma_start3A_82 = tpu.memref_slice %arg4[%mul3A_2, %dma_start3A_81] : memref<1024x16xf32, #tpu.memory_space<hbm>> -> memref<32x16xf32, #tpu.memory_space<hbm>>
      %dma_start3A_83 = arith.constant 0 : i32
      %dma_start3A_84 = tpu.memref_slice %arg4[%mul3A_2, %dma_start3A_83] : memref<1024x16xf32, #tpu.memory_space<hbm>> -> memref<32x16xf32, #tpu.memory_space<hbm>>
      tpu.enqueue_dma source(%arg10 : memref<32x16xf32, #tpu.memory_space<vmem>>) target(%dma_start3A_84 : memref<32x16xf32, #tpu.memory_space<hbm>>) target_semaphore(%run_scoped3A : memref<!tpu.dma_semaphore, #tpu.memory_space<semaphore_mem>>)
      %dma_wait3A_85 = arith.constant 0 : i32
      %dma_wait3A_86 = tpu.memref_slice %arg4[%mul3A_2, %dma_wait3A_85] : memref<1024x16xf32, #tpu.memory_space<hbm>> -> memref<32x16xf32, #tpu.memory_space<hbm>>
      %dma_wait3A_87 = arith.constant 0 : i32
      %dma_wait3A_88 = tpu.memref_slice %arg4[%mul3A_2, %dma_wait3A_87] : memref<1024x16xf32, #tpu.memory_space<hbm>> -> memref<32x16xf32, #tpu.memory_space<hbm>>
      tpu.wait_dma2 semaphore(%run_scoped3A : memref<!tpu.dma_semaphore, #tpu.memory_space<semaphore_mem>>) src(%arg10 : memref<32x16xf32, #tpu.memory_space<vmem>>) dst(%dma_wait3A_88 : memref<32x16xf32, #tpu.memory_space<hbm>>)
      tpu.yield
    }) : () -> ()
    "tpu.region"() ({
      %run_scoped3A = tpu.sem_alloc : memref<!tpu.dma_semaphore, #tpu.memory_space<semaphore_mem>>
      %dma_start3A_81 = arith.constant 0 : i32
      %dma_start3A_82 = tpu.memref_slice %arg5[%mul3A_2, %dma_start3A_81] : memref<1024x16xi32, #tpu.memory_space<hbm>> -> memref<32x16xi32, #tpu.memory_space<hbm>>
      %dma_start3A_83 = arith.constant 0 : i32
      %dma_start3A_84 = tpu.memref_slice %arg5[%mul3A_2, %dma_start3A_83] : memref<1024x16xi32, #tpu.memory_space<hbm>> -> memref<32x16xi32, #tpu.memory_space<hbm>>
      tpu.enqueue_dma source(%arg11 : memref<32x16xi32, #tpu.memory_space<vmem>>) target(%dma_start3A_84 : memref<32x16xi32, #tpu.memory_space<hbm>>) target_semaphore(%run_scoped3A : memref<!tpu.dma_semaphore, #tpu.memory_space<semaphore_mem>>)
      %dma_wait3A_85 = arith.constant 0 : i32
      %dma_wait3A_86 = tpu.memref_slice %arg5[%mul3A_2, %dma_wait3A_85] : memref<1024x16xi32, #tpu.memory_space<hbm>> -> memref<32x16xi32, #tpu.memory_space<hbm>>
      %dma_wait3A_87 = arith.constant 0 : i32
      %dma_wait3A_88 = tpu.memref_slice %arg5[%mul3A_2, %dma_wait3A_87] : memref<1024x16xi32, #tpu.memory_space<hbm>> -> memref<32x16xi32, #tpu.memory_space<hbm>>
      tpu.wait_dma2 semaphore(%run_scoped3A : memref<!tpu.dma_semaphore, #tpu.memory_space<semaphore_mem>>) src(%arg11 : memref<32x16xi32, #tpu.memory_space<vmem>>) dst(%dma_wait3A_88 : memref<32x16xi32, #tpu.memory_space<hbm>>)
      tpu.yield
    }) : () -> ()
    return
  }
}

</mosaic_0001>

<sc_bundles>
// kernel: _phase2.3.cloned.1.call-start
scs
__scs_entry_jumppad:
0x0: {  	(pc) =	sbr.rel $0x88, $3  }
0x1: {  	(tag) =	ssettag $0x0;
	lr =	simm.s32 $0x1  }
0x2: {  	[smem:$0x3F9F] =	sst lr;
	_ =	strace $0xD0000000  }
0x3: {  	_ = 	snop  }
0x4: {  	_ = 	snop  }
0x5: {  	_ = 	snop  }
0x6: {  	_ = 	snop  }
0x7: {  	_ = 	snop  }
__scs_overlays_trampoline_lowered:
0x8: {  	[smem:$0x3FAE] =	sst s0  }
0x9: {  	[smem:$0x3FAF] =	sst s1  }
0xa: {  	[smem:$0x3FB0] =	sst s2  }
0xb: {  	[smem:$0x3FB1] =	sst s3  }
0xc: {  	[smem:$0x3FB2] =	sst s4  }
0xd: {  	[smem:$0x3FB3] =	sst s5  }
0xe: {  	[smem:$0x3FB4] =	sst s6  }
0xf: {  	[smem:$0x3FB5] =	sst s7  }
0x10: {  	[smem:$0x3FB6] =	sst s8  }
0x11: {  	[smem:$0x3FB7] =	sst s9;
	s0 =	simm.s32 @!p0 $0x0  }
0x12: {  	s1 =	sld [smem:$0x3F9D];
	s0 =	simm.s32 @p0 $0x1  }
0x13: {  	[smem:$0x3FB8] =	sst s0;
	s0 =	simm.s32 @!p1 $0x0  }
0x14: {  	s2 =	sld [smem:$0x3F9C];
	s0 =	simm.s32 @p1 $0x1  }
0x15: {  	[smem:$0x3FB9] =	sst s0;
	s0 =	simm.s32 @!p2 $0x0  }
0x16: {  	s3 =	sld [smem:$0x3FDB];
	s0 =	simm.s32 @p2 $0x1  }
0x17: {  	s4 =	simm.s32 $0x1BF5;
	[smem:$0x3FBB] =	sst s0  }
0x18: {  	s0 =	sld [smem:$0x3F9E];
	_ =	swait.ge [sflag:s4], $0x0  }
0x19: {  	s7 =	sld [smem:$0x3F9F]  }
0x1a: {  	s8 =	sadd.s32 $0xFFFFE003, lr  }
0x1b: {  	s9 =	sadd.s32 $0xFFFFFEF7, lr;
	s5 =	simm.s32 $0xFFFFFFFF;
	p2 =	slt.u32 s8, $0xFFFFF086  }
0x1c: {  	p1 =	slt.u32 s9, $0xF7A;
	s5 =	simm.s32 @!p2 $0x0  }
0x1d: {  	s5 =	simm.s32 @p1 $0x1;
	p0 =	seq.s32 s7, s2  }
0x1e: {  	s7 =	smul.u32 @!p0 $0xF7A, s2;
	p2 =	seq.s32 @!p0 s5, $0x0  }
0x1f: {  	s9 =	smul.u32 $0xF7A, s1;
	s8 =	simm.s32 @!p0 $0x1BF5;
	p2 =	por !p2, p0  }
0x20: {  	[sflag:s8] =	ssyncset.s32 @!p0 $0xFFFFF086;
	s6 =	sadd.s32 @!p0 s3, s7;
	s7 =	simm.s32 @!p0 $0x108  }
0x21: {  	s3 =	sadd.s32 s3, s9;
	s6 =	sadd.s32 @!p0 $0x88, s6;
	s7 =	simm.s32 @p2 $0x1082  }
0x22: {  	[simem:s7], [sflag:s8] =	dma.local @!p0 [hbm:s6], $0xF7A  }
0x23: {  	s9 =	sor.u32 $0xD0000000, s2;
	s6 =	simm.s32 $0x108;
	_ =	swait.ge @!p0 [sflag:s8], $0x0  }
0x24: {  	s3 =	sadd.s32 $0x88, s3;
	s6 =	simm.s32 @!p1 $0x1082;
	[sflag:s4] =	ssyncset.s32 $0xFFFFF086  }
0x25: {  	[simem:s6], [sflag:s4] =	dma.local [hbm:s3], $0xF7A  }
0x26: {  	[smem:$0x3F9F] =	sst s1;
	(tag) =	ssettag s2;
	_ =	strace s9  }
0x27: {  	s1 =	sld [smem:$0x3FAF]  }
0x28: {  	s2 =	sld [smem:$0x3FB0]  }
0x29: {  	s4 =	sld [smem:$0x3FB2]  }
0x2a: {  	p0 =	seq.s32 s5, $0x0;
	s5 =	sld [smem:$0x3FB3]  }
0x2b: {  	s6 =	sld [smem:$0x3FB4]  }
0x2c: {  	s7 =	sld [smem:$0x3FB5]  }
0x2d: {  	s3 =	simm.s32 $0x108;
	s8 =	sld [smem:$0x3FB6]  }
0x2e: {  	s3 =	simm.s32 @!p0 $0x1082;
	s9 =	sld [smem:$0x3FB7]  }
0x2f: {  	lr =	sadd.s32 s0, s3;
	s0 =	sld [smem:$0x3FAE]  }
0x30: {  	s3 =	sld [smem:$0x3FB1]  }
0x31: {  	[smem:$0x3FBA] =	sst s10  }
0x32: {  	s10 =	sld [smem:$0x3FB8];
	_ =	sdelay $0x3  }
0x33: {  	p0 =	seq.s32 s10, $0x1;
	s10 =	sld [smem:$0x3FBA];
	_ =	sdelay $0x3  }
0x34: {  	[smem:$0x3FBA] =	sst s10  }
0x35: {  	s10 =	sld [smem:$0x3FB9];
	_ =	sdelay $0x3  }
0x36: {  	p1 =	seq.s32 s10, $0x1;
	s10 =	sld [smem:$0x3FBA];
	_ =	sdelay $0x3  }
0x37: {  	[smem:$0x3FBA] =	sst s10  }
0x38: {  	s10 =	sld [smem:$0x3FBB]  }
0x39: {  	_ = 	snop;
	(pc) =	sbr.ind lr, $3  }
0x3a: {  	_ = 	snop  }
0x3b: {  	_ = 	snop  }
0x3c: {  	p2 =	seq.s32 s10, $0x1;
	s10 =	sld [smem:$0x3FBA]  }
0x3d: {  	_ =	shalt  }
0x3e: {  	_ =	shalt  }
0x3f: {  	_ =	shalt  }
0x40: {  	_ =	shalt  }
0x41: {  	_ =	shalt  }
0x42: {  	_ =	shalt  }
0x43: {  	_ =	shalt  }
0x44: {  	_ =	shalt  }
0x45: {  	_ =	shalt  }
0x46: {  	_ =	shalt  }
0x47: {  	_ =	shalt  }
0x48: {  	_ =	shalt  }
0x49: {  	_ =	shalt  }
0x4a: {  	_ =	shalt  }
0x4b: {  	_ =	shalt  }
0x4c: {  	_ =	shalt  }
0x4d: {  	_ =	shalt  }
0x4e: {  	_ =	shalt  }
0x4f: {  	_ =	shalt  }
0x50: {  	_ =	shalt  }
0x51: {  	_ =	shalt  }
0x52: {  	_ =	shalt  }
0x53: {  	_ =	shalt  }
0x54: {  	_ =	shalt  }
0x55: {  	_ =	shalt  }
0x56: {  	_ =	shalt  }
0x57: {  	_ =	shalt  }
0x58: {  	_ =	shalt  }
0x59: {  	_ =	shalt  }
0x5a: {  	_ =	shalt  }
0x5b: {  	_ =	shalt  }
0x5c: {  	_ =	shalt  }
0x5d: {  	_ =	shalt  }
0x5e: {  	_ =	shalt  }
0x5f: {  	_ =	shalt  }
0x60: {  	_ =	shalt  }
0x61: {  	_ =	shalt  }
0x62: {  	_ =	shalt  }
0x63: {  	_ =	shalt  }
0x64: {  	_ =	shalt  }
0x65: {  	_ =	shalt  }
0x66: {  	_ =	shalt  }
0x67: {  	_ =	shalt  }
0x68: {  	_ =	shalt  }
0x69: {  	_ =	shalt  }
0x6a: {  	_ =	shalt  }
0x6b: {  	_ =	shalt  }
0x6c: {  	_ =	shalt  }
0x6d: {  	_ =	shalt  }
0x6e: {  	_ =	shalt  }
0x6f: {  	_ =	shalt  }
0x70: {  	_ =	shalt  }
0x71: {  	_ =	shalt  }
0x72: {  	_ =	shalt  }
0x73: {  	_ =	shalt  }
0x74: {  	_ =	shalt  }
0x75: {  	_ =	shalt  }
0x76: {  	_ =	shalt  }
0x77: {  	_ =	shalt  }
0x78: {  	_ =	shalt  }
0x79: {  	_ =	shalt  }
0x7a: {  	_ =	shalt  }
0x7b: {  	_ =	shalt  }
0x7c: {  	_ =	shalt  }
0x7d: {  	_ =	shalt  }
0x7e: {  	_ =	shalt  }
0x7f: {  	_ =	shalt  }
0x80: {  	_ =	shalt  }
0x81: {  	_ =	shalt  }
0x82: {  	_ =	shalt  }
0x83: {  	_ =	shalt  }
0x84: {  	_ =	shalt  }
0x85: {  	_ =	shalt  }
0x86: {  	_ =	shalt  }
0x87: {  	_ =	shalt  }
.Lfunc_end0:
.L_simem_size_0:
called_computation_lowered:
.L_overlay_start_0:
0x88: {  	s2 =	sld [smem:$0x3FD9]  }
0x89: {  	s3 =	sld [smem:$0x3FFE];
	_ =	sdelay $0x1  }
0x8a: {  	s1 =	srdreg.scid  }
0x8b: {  	s0 =	sand.u32 $0x1, s1  }
0x8c: {  	s17 =	sshll.u32 s0, $0xA;
	s2 =	sadd.s32 s3, s2  }
0x8d: {  	s2 =	sadd.s32 s2, s17  }
0x8e: {  	[smem:$0x3FC6] =	sst s2  }
0x8f: {  	_ = 	snop  }
0x90: {  	s2 =	sld [smem:$0x3FC8];
	(tm) =	ssettm $0x1  }
0x91: {  	s18 =	sld [smem:$0x3FFB];
	_ =	sdelay $0x3  }
0x92: {  	_ =	strace s18  }
0x93: {  	s3 =	sld [smem:$0x3FFC];
	_ =	sdelay $0x3  }
0x94: {  	_ =	strace s3  }
0x95: {  	s3 =	sld [smem:$0x3FFD];
	_ =	sdelay $0x3  }
0x96: {  	_ =	strace s3  }
0x97: {  	_ =	strace $0x8FFFFFFF  }
0x98: {  	s19 =	sld [smem:$0x3FDB];
	_ =	sdelay $0x1  }
0x99: {  	s4 =	simm.s32 $_scs_section_size  }
0x9a: {  	s5 =	simm.s32 $_size__tile_overlayer_lowered;
	s6 =	simm.s32 $_tile_overlayer_lowered  }
0x9b: {  	s22 =	simm.s32 $0x1BFF;
	s21 =	sshll.u32 s6, $0x1;
	s3 =	sadd.s32 s4, s19  }
0x9c: {  	s7 =	simm.s32 $0x0;
	s20 =	sshll.u32 s5, $0x1;
	s5 =	sadd.s32 s21, s3  }
0x9d: {  	[timem:s7], [sflag:s22] =	dma.local [hbm:s5], s20  }
0x9e: {  	_ =	swait.ge [sflag:s22], s20  }
0x9f: {  	s4 =	ssub.s32 $0x0, s20;
	[sflag:s22] =	ssyncset.done $0x0  }
0xa0: {  	[sflag:s22] =	ssyncadd.s32 s4;
	_ =	sdelay $0x1  }
0xa1: {  	s23 =	simm.s32 $0x1B8B  }
0xa2: {  	_ =	swait.ge [sflag:s23], $0x1  }
0xa3: {  	[sflag:s23] =	ssyncset.done $0x0  }
0xa4: {  	s25 =	simm.s32 $0x1B8E;
	s24 =	sld [smem:$0x3FFE];
	[sflag:s23] =	ssyncadd.s32 $0xFFFFFFFF  }
0xa5: {  	s26 =	simm.s32 $execute0_lowered;
	[smem:$0x3FD2] =	sst s25  }
0xa6: {  	s5 =	sshll.u32 s26, $0x1;
	_ =	strace $0x80000046;
	[dreg:$0x1] =	wrdreg $0xFFFFFFFF  }
0xa7: {  	s28 =	simm.s32 $_size_execute0_lowered;
	s3 =	sadd.s32 s3, s5;
	[dreg:$0x0] =	wrdreg $0x0  }
0xa8: {  	s5 =	sshll.u32 s28, $0x1;
	[dreg:$0x2] =	wrdreg s3  }
0xa9: {  	[dreg:$0x3] =	wrdreg s5  }
0xaa: {  	[dreg:$0x4] =	wrdreg $0xC0  }
0xab: {  	_ =	task [dreg:s7], $0x5FFFF  }
0xac: {  	[dreg:$0x1] =	wrdreg $0xFFFFFFFF  }
0xad: {  	[dreg:$0x0] =	wrdreg $0x60  }
0xae: {  	[dreg:$0x2] =	wrdreg s24  }
0xaf: {  	[dreg:$0x3] =	wrdreg s2  }
0xb0: {  	[dreg:$0x4] =	wrdreg $0x9  }
0xb1: {  	_ =	task.clear_ibuf [dreg:s7], $0x5FFFF;
	_ =	strace $0x90000046  }
0xb2: {  	s29 =	simm.s32 $0x9;
	_ =	strace $0x80000048  }
0xb3: {  	_ =	swait.ge [sflag:s29], $0x1  }
0xb4: {  	[sflag:s29] =	ssyncadd.s32 $0xFFFFFFFF  }
0xb5: {  	_ =	strace $0x90000048  }
0xb6: {  	_ =	sfence  }
0xb7: {  	s30 =	sld [smem:$0x0];
	_ =	sdelay $0x2  }
0xb8: {  	s31 =	sshll.u32 s1, $0xD;
	s1 =	sshrl.u32 s1, $0x2  }
0xb9: {  	s3 =	sand.u32 $0x4000, s31;
	s1 =	sadd.s32 s1, s30  }
0xba: {  	s0 =	sor.u32 s3, s0;
	s1 =	sshll.u32 s1, $0x11  }
0xbb: {  	s0 =	sor.u32 s1, s0  }
0xbc: {  	s0 =	sadd.s32 $0x8F2B, s0  }
0xbd: {  	[sflag:s0] =	ssyncadd.remote.s32 $0x1  }
0xbe: {  	_ =	sfence.sel $0xFFFF  }
0xbf: {  	[dreg:$0x0] =	wrdreg $0xFFFFFFFF;
	(pc) =	sbr.abs _section_cstart, $3  }
0xc0: {  	[dreg:$0x1] =	wrdreg $0xFFFFFFFF  }
0xc1: {  	_ =	task.clear_ibuf [dreg:s7], $0x2FFFF;
	_ =	strace $0x9FFFFFFF  }
0xc2: {  	(tm) =	ssettm $0x7FFFFFFF  }
0xc3: {  	_ =	shalt  }
tec
execute0_lowered:
.L_overlay_start_1:
0x0: {  	(tag) =	ssettag $0x1  }
0x1: {  	s0 =	srdreg.scid;
	v0 =	vimm.s32 $0xEFCDAB89  }
0x2: {  	s2 =	stileid.u32;
	v1 =	vimm.s32 $0x67452301;
	s1 =	rddreg [dreg:$0x0];
	vm1 =	vcmask $0xB08;
	vm0 =	vcmask $0x300  }
0x3: {  	vm2 =	vcmask $0x1310;
	s9 =	simm.s32 $0x2;
	s10 =	simm.s32 $0x80;
	s11 =	simm.s32 $0x7000;
	v0 =	vunpack.c.l.s4.s8 v0;
	v1 =	vunpack.c.l.s4.s8 v1  }
0x4: {  	vm4 =	vcmask $0x2320;
	v3 =	vimm.s32 $0x85634120;
	s12 =	simm.s32 $0x7080;
	s13 =	simm.s32 $0xB200;
	s14 =	simm.s32 $0x7100  }
0x5: {  	vm5 =	vcmask $0x338;
	s15 =	simm.s32 $0xF200;
	s16 =	simm.s32 $0x7180;
	s17 =	simm.s32 $0x13200;
	v2 =	vunpack.c.0.s8.s32 v0;
	v1 =	vunpack.c.0.s8.s32 v1  }
0x6: {  	vm6 =	vcmask $0x2B28;
	s18 =	simm.s32 $0x1;
	s19 =	simm.s32 $0x17200;
	s20 =	simm.s32 $0x19400;
	vm0 =	vmor vm0, vm1;
	v3 =	vunpack.c.l.s4.s8 v3  }
0x7: {  	s21 =	simm.s32 $0x19480;
	s22 =	simm.s32 $0x17400;
	s0 =	sand.u32 $0x1, s0;
	vm1 =	vmor vm5, vm1;
	v1 =	vcombine.low v1, v2;
	v2 =	vimm.s32 $0xFDEBC9A7  }
0x8: {  	s23 =	simm.s32 $0x18400;
	s3 =	sshll.u32 s2, $0x6;
	s4 =	sshll.u32 s0, $0x5;
	vm3 =	vmor vm0, vm2;
	vm0 =	vcmask $0x1B18;
	v2 =	vunpack.c.l.s4.s8 v2  }
0x9: {  	s24 =	simm.s32 $0x0;
	s2 =	rddreg [dreg:$0x1];
	vm1 =	vmor vm1, vm2;
	s3 =	sor.u32 s4, s3;
	v0 =	vlaneseq.u32;
	vm3 =	vmor vm3, vm0  }
0xa: {  	s0 =	ssub.s32 $0x2, s0;
	s4 =	simm.s32 $0x0;
	v3 =	vunpack.c.0.s8.s32 v3;
	vm0 =	vmor vm1, vm0;
	s5 =	sshrl.u32 s3, $0x3;
	v2 =	vunpack.c.0.s8.s32 v2  }
0xb: {  	s31 =	sshrl.u32 s0, $0x1;
	vm1 =	vcmask $0x3330;
	[smem:$0x7FF] =	sst s4;
	vm3 =	vmor vm3, vm4;
	vm0 =	vmor vm0, vm4;
	s5 =	smul.u32 $0x380, s5  }
0xc: {  	s6 =	sshll.u32 s3, $0x4;
	s0 =	ssub.s32 s0, s31;
	_ =	strace $0x80000047;
	vm2 =	vmor vm3, vm6;
	vm4 =	vmor vm0, vm6;
	v2 =	vcombine.low v3, v2  }
0xd: {  	s8 =	smax.u32 s0, $0x1;
	vm3 =	vcmask $0x3B38;
	vm2 =	vmor vm2, vm1;
	vm1 =	vmor vm4, vm1;
	s5 =	sadd.s32 s5, s1;
	s1 =	sadd.s32 s6, s1  }
0xe: {  	v1 =	vand.u32 $0xF, v1;
	vm0 =	vmor vm2, vm3;
	s5 =	sadd.s32 $0x800, s5;
	s6 =	sadd.s32 $0x1C800, s1;
	s7 =	sadd.s32 $0x20800, s1;
	v2 =	vand.u32 $0xF, v2  }
.LBB2_1:
0xf: {  	[tilespmem:s4], [sflag:$0x2] =	stream.linear.gather [hbm4b:s5+s4], $0x7000, $0x38;
	[tilespmem:$0x19500] =	vst v63  }
0x10: {  	_ =	swait.ge [sflag:s9], $0x7000  }
0x11: {  	[sflag:s9] =	ssyncset.done $0x0  }
0x12: {  	s25 =	simm.s32 $0x0;
	[sflag:s9] =	ssyncadd.s32 $0xFFFF9000  }
.LBB2_2:
0x13: {  	s0 =	sshrl.u32 s25, $0x3  }
0x14: {  	s0 =	smul.u32 $0x7000, s0  }
0x15: {  	s1 =	sshll.u32 s25, $0x7  }
0x16: {  	s28 =	simm.s32 $0x0;
	s1 =	sand.u32 $0x380, s1;
	s0 =	sshra.s32 s0, $0x2  }
0x17: {  	s26 =	sor.u32 s1, s0;
	s1 =	sand.u32 $0x1C00, s28  }
0x18: {  	s31 =	sand.u32 $0x70, s28;
	s0 =	sadd.s32 s1, s26  }
0x19: {  	s0 =	sadd.s32 s31, s0  }
0x1a: {  	v3 =	vld [tilespmem:s0+$0x0];
	_ =	sdelay $0x3  }
0x1b: {  	v4 =	vor.u32 s28, v0  }
0x1c: {  	(xrf1) =	vsort.ascd.msk.f32 $0xffff, v3, v4;
	_ =	sdelay $0x6  }
0x1d: {  	s1 =	simm.s32 $0x80  }
0x1e: {  	s31 =	simm.s32 $0x10;
	s0 =	sand.u32 $0x1C00, s1  }
0x1f: {  	s28 =	sand.u32 $0x70, s31;
	s0 =	sadd.s32 s0, s26  }
0x20: {  	s0 =	sadd.s32 s28, s0  }
0x21: {  	v3 =	vld [tilespmem:s0+$0x0];
	_ =	sdelay $0x2  }
0x22: {  	v62 =	vimm.f32 $-1.000000020e+30;
	v5, v6, _ =	vpop (xrf1)  }
0x23: {  	v7 =	vimm.s32 $0x0;
	v8 =	vor.u32 s31, v0;
	vm2 =	vgt.f32 v5, v62  }
0x24: {  	(xrf1) =	vsort.ascd.msk.f32 $0xffff, v3, v8;
	v3 =	vsel vm2, v5, v62;
	v63 =	vsel vm2, v6, v7  }
0x25: {  	(xrf1) =	vsort.dscd.msk.f32 $0xffff, v3, v63;
	_ =	sdelay $0x6  }
0x26: {  	s29 =	simm.s32 $0x100  }
0x27: {  	s31 =	sand.u32 $0x1C00, s29;
	s28 =	simm.s32 $0x20  }
0x28: {  	s30 =	simm.s32 $0x30;
	s1 =	sadd.s32 s31, s26;
	s0 =	sand.u32 $0x70, s28  }
.LBB2_3:
0x29: {  	p0 =	sne.s32 s30, $0x300;
	s0 =	sadd.s32 s0, s1  }
0x2a: {  	v3 =	vld [tilespmem:s0+$0x0];
	_ =	sdelay $0x1  }
0x2b: {  	v4, v5, _ =	vpop (xrf1)  }
0x2c: {  	v6, v7, _ =	vpop (xrf1)  }
0x2d: {  	v8 =	vor.u32 s28, v0;
	s28 =	smov.u32 s30;
	vm2 =	vgt.f32 v4, v6  }
0x2e: {  	(xrf1) =	vsort.ascd.msk.f32 $0xffff, v3, v8;
	v3 =	vsel vm2, v4, v6;
	v4 =	vsel vm2, v5, v7  }
0x2f: {  	(xrf1) =	vsort.dscd.msk.f32 $0xffff, v3, v4;
	_ =	sdelay $0x4  }
.Ltmp0:
0x30: {  	(pc) =	sbr.rel @p0 .LBB2_3-.Ltmp0, $4  }
0x31: {  	_ = 	snop  }
0x32: {  	s29 =	sadd.s32 $0x80, s29  }
0x33: {  	s1 =	sand.u32 $0x1C00, s29  }
0x34: {  	s30 =	sadd.s32 $0x10, s30;
	s0 =	sand.u32 $0x70, s28;
	s1 =	sadd.s32 s1, s26  }
0x35: {  	s0 =	sadd.s32 s0, s1  }
0x36: {  	v3 =	vld [tilespmem:s0+$0x0];
	_ =	sdelay $0x1  }
0x37: {  	v4, v5, _ =	vpop (xrf1)  }
0x38: {  	v6, v7, _ =	vpop (xrf1)  }
0x39: {  	v8 =	vor.u32 s28, v0;
	vm2 =	vgt.f32 v4, v6  }
0x3a: {  	(xrf1) =	vsort.ascd.msk.f32 $0xffff, v3, v8;
	v3 =	vsel vm2, v4, v6;
	v61 =	vsel vm2, v5, v7  }
0x3b: {  	(xrf1) =	vsort.dscd.msk.f32 $0xffff, v3, v61;
	_ =	sdelay $0xc  }
0x3c: {  	v3, v4, _ =	vpop (xrf1)  }
0x3d: {  	v63, v62, _ =	vpop (xrf1)  }
0x3e: {  	vm2 =	vgt.f32 v3, v63  }
0x3f: {  	v3 =	vsel vm2, v3, v63;
	v4 =	vsel vm2, v4, v62  }
0x40: {  	(xrf1) =	vsort.dscd.msk.f32 $0xffff, v3, v4;
	_ =	sdelay $0xa  }
0x41: {  	s30 =	sadd.s32 s3, s25;
	s31 =	sshll.u32 s25, $0x4;
	s25 =	sadd.s32 $0x1, s25  }
0x42: {  	s0 =	smul.u32 $0x310, s30;
	p0 =	sne.s32 s25, $0x20  }
.Ltmp1:
0x43: {  	_ = 	snop;
	(pc) =	sbr.rel @p0 .LBB2_2-.Ltmp1, $4  }
0x44: {  	v3, v4, _ =	vpop (xrf1)  }
0x45: {  	v3 =	vadd.s32 s0, v4  }
0x46: {  	[tilespmem:s31+$0x7000] =	vst v3;
	v3 =	vshll.u32 v4, $0x7  }
0x47: {  	[tilespmem:s31+$0x17200] =	vst v3  }
0x48: {  	s25 =	simm.s32 $0x7200  }
0x49: {  	[tilespmem:s25], [sflag:$0x1] =	stream.indirect.gather [hbm4b:s2+s10], $0x80, s11, s10, $0xb8;
	[tilespmem:$0x19500] =	vst v63  }
0x4a: {  	_ = 	snop  }
0x4b: {  	[tilespmem:s13], [sflag:$0x1] =	stream.indirect.gather [hbm4b:s2+s10], $0x80, s12, s10, $0xb8;
	[tilespmem:$0x19500] =	vst v63  }
0x4c: {  	_ = 	snop  }
0x4d: {  	[tilespmem:s15], [sflag:$0x1] =	stream.indirect.gather [hbm4b:s2+s10], $0x80, s14, s10, $0xb8;
	[tilespmem:$0x19500] =	vst v63  }
0x4e: {  	_ = 	snop  }
0x4f: {  	[tilespmem:s17], [sflag:$0x1] =	stream.indirect.gather [hbm4b:s2+s10], $0x80, s16, s10, $0xb8;
	[tilespmem:$0x19500] =	vst v63  }
0x50: {  	_ =	swait.ge [sflag:s18], $0x4000  }
0x51: {  	[sflag:s18] =	ssyncset.done $0x0  }
0x52: {  	[sflag:s18] =	ssyncadd.s32 $0xFFFFC000  }
0x53: {  	_ =	swait.ge [sflag:s18], $0x4000  }
0x54: {  	[sflag:s18] =	ssyncset.done $0x0  }
0x55: {  	[sflag:s18] =	ssyncadd.s32 $0xFFFFC000  }
0x56: {  	_ =	swait.ge [sflag:s18], $0x4000  }
0x57: {  	[sflag:s18] =	ssyncset.done $0x0  }
0x58: {  	[sflag:s18] =	ssyncadd.s32 $0xFFFFC000  }
0x59: {  	_ =	swait.ge [sflag:s18], $0x4000  }
0x5a: {  	[sflag:s18] =	ssyncset.done $0x0  }
0x5b: {  	s26 =	simm.s32 $0x0;
	[sflag:s18] =	ssyncadd.s32 $0xFFFFC000  }
.LBB2_6:
0x5c: {  	s28 =	sshll.u32 s26, $0x4;
	v3 =	vimm.f32 $-1.000000020e+30;
	v5 =	vimm.s32 $0x0;
	s29 =	smov.u32 s25;
	s30 =	simm.s32 $0x0  }
.LBB2_7:
0x5d: {  	s0 =	sadd.s32 s28, s30  }
0x5e: {  	v4 =	vmov s0;
	_ =	sdelay $0x4  }
0x5f: {  	v4 =	vld.idx.msk [tilespmem:v4+s19+$0x0], $0xffff;
	_ =	sdelay $0x1  }
0x60: {  	v6 =	vld [tilespmem:s29+$0x0];
	_ =	sdelay $0x2  }
0x61: {  	s1 =	simm.s32 $0x0;
	v4 =	vadd.s32 v0, v4  }
0x62: {  	v7 =	vadd.s32 s1, v4  }
0x63: {  	(xrf1) =	vsort.ascd.msk.f32 $0xffff, v6, v7;
	_ =	sdelay $0x9  }
0x64: {  	s0 =	sadd.s32 $0x10, s29  }
0x65: {  	v6 =	vld [tilespmem:s0+$0x0];
	_ =	sdelay $0x2  }
0x66: {  	s1 =	simm.s32 $0x10;
	v7, v8, _ =	vpop (xrf1)  }
0x67: {  	v9 =	vadd.s32 s1, v4;
	vm2 =	vgt.f32 v7, v3  }
0x68: {  	(xrf1) =	vsort.ascd.msk.f32 $0xffff, v6, v9;
	v3 =	vsel vm2, v7, v3;
	v5 =	vsel vm2, v8, v5  }
0x69: {  	(xrf1) =	vsort.dscd.msk.f32 $0xffff, v3, v5;
	_ =	sdelay $0x9  }
0x6a: {  	s1 =	sadd.s32 $0x10, s0  }
0x6b: {  	v3 =	vld [tilespmem:s1+$0x0]  }
0x6c: {  	s31 =	simm.s32 $0x20;
	s0 =	simm.s32 $0x30  }
.LBB2_8:
0x6d: {  	p0 =	sne.s32 s0, $0x70;
	v5, v6, _ =	vpop (xrf1)  }
0x6e: {  	v7, v8, _ =	vpop (xrf1)  }
0x6f: {  	v9 =	vadd.s32 s31, v4;
	s31 =	smov.u32 s0;
	vm2 =	vgt.f32 v5, v7  }
0x70: {  	(xrf1) =	vsort.ascd.msk.f32 $0xffff, v3, v9;
	v3 =	vsel vm2, v5, v7;
	v5 =	vsel vm2, v6, v8  }
0x71: {  	(xrf1) =	vsort.dscd.msk.f32 $0xffff, v3, v5;
	_ =	sdelay $0x7  }
.Ltmp2:
0x72: {  	(pc) =	sbr.rel @p0 .LBB2_8-.Ltmp2, $4  }
0x73: {  	_ = 	snop  }
0x74: {  	s1 =	sadd.s32 $0x10, s1  }
0x75: {  	v3 =	vld [tilespmem:s1+$0x0]  }
0x76: {  	s0 =	sadd.s32 $0x10, s0  }
0x77: {  	v5, v6, _ =	vpop (xrf1)  }
0x78: {  	v7, v8, _ =	vpop (xrf1)  }
0x79: {  	v4 =	vadd.s32 s31, v4;
	vm2 =	vgt.f32 v5, v7  }
0x7a: {  	(xrf1) =	vsort.ascd.msk.f32 $0xffff, v3, v4;
	v3 =	vsel vm2, v5, v7;
	v4 =	vsel vm2, v6, v8  }
0x7b: {  	(xrf1) =	vsort.dscd.msk.f32 $0xffff, v3, v4;
	_ =	sdelay $0xc  }
0x7c: {  	v3, v4, _ =	vpop (xrf1)  }
0x7d: {  	v5, v6, _ =	vpop (xrf1)  }
0x7e: {  	vm2 =	vgt.f32 v3, v5  }
0x7f: {  	v3 =	vsel vm2, v3, v5;
	v4 =	vsel vm2, v4, v6  }
0x80: {  	(xrf1) =	vsort.dscd.msk.f32 $0xffff, v3, v4;
	_ =	sdelay $0x7  }
0x81: {  	s30 =	sadd.s32 $0x1, s30  }
0x82: {  	p0 =	sne.s32 s30, $0xA  }
.Ltmp3:
0x83: {  	_ = 	snop;
	(pc) =	sbr.rel @p0 .LBB2_7-.Ltmp3, $2  }
0x84: {  	_ =	sdelay $0x2  }
0x85: {  	s29 =	sadd.s32 $0x80, s29;
	v3, v5, _ =	vpop (xrf1)  }
0x86: {  	_ =	sdelay $0x1  }
0x87: {  	[tilespmem:$0x19400] =	vst v3  }
0x88: {  	[tilespmem:$0x19480] =	vst v5  }
0x89: {  	v4 =	vld.idx.msk [tilespmem:v1+s21+$0x0], $0xffff;
	_ =	sdelay $0x1  }
0x8a: {  	v6 =	vld.idx.msk [tilespmem:v1+s20+$0x0], $0xffff;
	_ =	sdelay $0x2  }
0x8b: {  	vm2 =	vgt.s32 v5, v4  }
0x8c: {  	v7 =	vsel vm2, v4, v5;
	v4 =	vsel vm2, v5, v4  }
0x8d: {  	vm2 =	veq.f32 v3, v6;
	v4 =	vsel vm0, v7, v4  }
0x8e: {  	[tilespmem:$0x19400] =	vst v3;
	v4 =	vsel vm2, v4, v5  }
0x8f: {  	[tilespmem:$0x19480] =	vst v4  }
0x90: {  	v55 =	vld.idx.msk [tilespmem:v2+s21+$0x0], $0xffff;
	_ =	sdelay $0x1  }
0x91: {  	v56 =	vld.idx.msk [tilespmem:v2+s20+$0x0], $0xffff;
	_ =	sdelay $0x2  }
0x92: {  	vm2 =	vgt.s32 v4, v55  }
0x93: {  	v57 =	vsel vm2, v55, v4;
	v5 =	vsel vm2, v4, v55  }
0x94: {  	vm2 =	veq.f32 v3, v56;
	v5 =	vsel vm1, v5, v57  }
0x95: {  	[tilespmem:$0x19400] =	vst v3;
	v4 =	vsel vm2, v5, v4  }
0x96: {  	[tilespmem:$0x19480] =	vst v4  }
0x97: {  	v58 =	vld.idx.msk [tilespmem:v1+s21+$0x0], $0xffff;
	_ =	sdelay $0x1  }
0x98: {  	v59 =	vld.idx.msk [tilespmem:v1+s20+$0x0], $0xffff;
	_ =	sdelay $0x2  }
0x99: {  	vm2 =	vgt.s32 v4, v58  }
0x9a: {  	v60 =	vsel vm2, v58, v4;
	v5 =	vsel vm2, v4, v58  }
0x9b: {  	vm2 =	veq.f32 v3, v59;
	v5 =	vsel vm0, v60, v5  }
0x9c: {  	[tilespmem:$0x19400] =	vst v3;
	v4 =	vsel vm2, v5, v4  }
0x9d: {  	[tilespmem:$0x19480] =	vst v4  }
0x9e: {  	v61 =	vld.idx.msk [tilespmem:v2+s21+$0x0], $0xffff;
	_ =	sdelay $0x1  }
0x9f: {  	v62 =	vld.idx.msk [tilespmem:v2+s20+$0x0], $0xffff  }
0xa0: {  	s0 =	sshll.u32 s26, $0x7;
	s26 =	sadd.s32 $0x1, s26  }
0xa1: {  	p0 =	sne.s32 s26, $0x20  }
.Ltmp4:
0xa2: {  	vm2 =	vgt.s32 v4, v61;
	(pc) =	sbr.rel @p0 .LBB2_6-.Ltmp4, $4  }
0xa3: {  	v63 =	vsel vm2, v61, v4;
	v5 =	vsel vm2, v4, v61  }
0xa4: {  	vm2 =	veq.f32 v3, v62;
	v5 =	vsel vm1, v5, v63  }
0xa5: {  	[tilespmem:s0+$0x17400] =	vst v3;
	v4 =	vsel vm2, v5, v4  }
0xa6: {  	s25 =	sadd.s32 $0x800, s25;
	[tilespmem:s0+$0x18400] =	vst v4  }
0xa7: {  	[hbm4b:s6+s4] =	stream.linear.scatter [tilespmem:s22], [sflag:$0x2], $0x1000, $0x38;
	[tilespmem:$0x19500] =	vst v63  }
0xa8: {  	s24 =	sadd.s32 $0x1, s24;
	_ =	swait.ge [sflag:s9], $0x1000  }
0xa9: {  	p0 =	sne.s32 s24, s8;
	[sflag:s9] =	ssyncset.done $0x0  }
.Ltmp5:
0xaa: {  	[sflag:s9] =	ssyncadd.s32 $0xFFFFF000;
	(pc) =	sbr.rel @p0 .LBB2_1-.Ltmp5, $4  }
0xab: {  	[hbm4b:s7+s4] =	stream.linear.scatter [tilespmem:s23], [sflag:$0x2], $0x1000, $0x38;
	[tilespmem:$0x19500] =	vst v63  }
0xac: {  	_ =	swait.ge [sflag:s9], $0x1000  }
0xad: {  	[sflag:s9] =	ssyncset.done $0x0  }
0xae: {  	[sflag:s9] =	ssyncadd.s32 $0xFFFFF000  }
0xaf: {  	_ =	sfence.sel $0x180000  }
0xb0: {  	[bflag:$0x0] =	sbarrier.arrive $0xFFFF  }
0xb1: {  	_ =	strace $0x90000047  }
0xb2: {  	s0 =	stileid.u32;
	[bflag:$0x2] =	sbarrier.arrive $0xFFFF  }
0xb3: {  	p0 =	sne.s32 s0, $0x0;
	s0 =	rddreg [dreg:$0x2]  }
0xb4: {  	s0 =	sadd.s32 @!p0 $0x100000, s0  }
0xb5: {  	[sflag:s0] =	ssyncadd.tile.s32 @!p0 $0x1;
	_ =	shalt  }
.Lfunc_end2:
_tile_overlayer_lowered:
.L_overlay_start_2:
0xb6: {  	(tag) =	ssettag $0x2  }
0xb7: {  	s0 =	rddreg [dreg:$0x0];
	s2 =	stileid.u32  }
0xb8: {  	s1 =	rddreg [dreg:$0x1];
	p0 =	sne.s32 s2, $0x0  }
0xb9: {  	s3 =	rddreg [dreg:$0x2];
	[bflag:$0x3] =	sbarrier.arrive $0xFFFF;
	s2 =	simm.s32 @!p0 $0x1C02  }
0xba: {  	[timem:s3], [sflag:s2] =	dma.local @!p0 [hbm:s0], s1  }
0xbb: {  	s0 =	simm.s32 @!p0 $0x2  }
0xbc: {  	_ =	swait.ge @!p0 [sflag:s0], s1  }
0xbd: {  	s1 =	ssub.s32 @!p0 $0x0, s1;
	[sflag:s0] =	ssyncset.done @!p0 $0x0  }
0xbe: {  	[sflag:s0] =	ssyncadd.s32 @!p0 s1  }
0xbf: {  	[bflag:$0x3] =	sbarrier.arrive $0xFFFF  }
0xc0: {  	_ =	shalt  }

</sc_bundles>
